<compile_context>
chip_gen: v7x
topology: tpu7x:2x2x1
jax: 0.10.2.dev20260603
libtpu: 0.0.44.dev20260713+nightly
codegen_flags: <defaults>
</compile_context>

<pallas_src>
import functools

import jax
import jax.numpy as jnp
from jax import lax
from jax.experimental import pallas as pl
from jax.experimental.pallas import tpu as pltpu
from jax.experimental.pallas import tpu_sc as plsc

N_NODES = 10000
D_EMBED = 256
D_HIDDEN = 512
N_EDGES = 160000

NC = 2
NS = 16
LANES = 16
HALF = D_EMBED // NC
CHUNK = 80
E_PER_TILE = N_EDGES // NS
NCHUNK = E_PER_TILE // CHUNK
N_PAD = 10240
ROWS_PER_TILE = N_PAD // NS


def _sc_body(src_hbm, dst_hbm, table_hbm, zeros_hbm, out_hbm,
             acc_sh, src_v, dst_v, data0, data1, gsem0, gsem1, ssem0, ssem1,
             gsem0b, gsem1b):
    c = lax.axis_index("c")
    s = lax.axis_index("s")

    row0 = s * ROWS_PER_TILE
    pltpu.async_copy(src_hbm.at[c, s], src_v, gsem0)
    pltpu.async_copy(dst_hbm.at[s], dst_v, gsem1)
    pltpu.async_copy(zeros_hbm, acc_sh.at[pl.ds(row0, ROWS_PER_TILE)], ssem0)
    pltpu.make_async_copy(src_hbm.at[c, s], src_v, gsem0).wait()
    pltpu.make_async_copy(dst_hbm.at[s], dst_v, gsem1).wait()
    pltpu.make_async_copy(zeros_hbm, acc_sh.at[pl.ds(row0, ROWS_PER_TILE)],
                          ssem0).wait()
    plsc.subcore_barrier()

    bufs = ((data0, gsem0, ssem0), (data1, gsem1, ssem1))

    H = CHUNK // 2
    bsems = (gsem0b, gsem1b)

    def _fire_gather(b, j):
        data, gsem, _ = bufs[b]
        pltpu.async_copy(table_hbm.at[src_v.at[pl.ds(j * CHUNK, H)]],
                         data.at[pl.ds(0, H)], gsem)
        pltpu.async_copy(table_hbm.at[src_v.at[pl.ds(j * CHUNK + H, H)]],
                         data.at[pl.ds(H, H)], bsems[b])

    def _wait_gather(b, j):
        data, gsem, _ = bufs[b]
        pltpu.make_async_copy(table_hbm.at[src_v.at[pl.ds(j * CHUNK, H)]],
                              data.at[pl.ds(0, H)], gsem).wait()
        pltpu.make_async_copy(table_hbm.at[src_v.at[pl.ds(j * CHUNK + H, H)]],
                              data.at[pl.ds(H, H)], bsems[b]).wait()

    def _fire_scatter(b, j):
        data, _, ssem = bufs[b]
        pltpu.async_copy(data, acc_sh.at[dst_v.at[j]], ssem, add=True)

    def _wait_scatter(b, j):
        data, _, ssem = bufs[b]
        pltpu.make_async_copy(data, acc_sh.at[dst_v.at[j]], ssem).wait()

    _fire_gather(0, 0)
    _fire_gather(1, 1)

    @pl.loop(0, NCHUNK, step=2)
    def _mainloop(jj):
        for b in range(2):
            j = jj + b

            @pl.when(j < NCHUNK)
            def _():
                _wait_gather(b, j)
                _fire_scatter(b, j)

                @pl.when(j + 2 < NCHUNK)
                def _():
                    _wait_scatter(b, j)
                    _fire_gather(b, j + 2)

    _wait_scatter(1, NCHUNK - 2)
    _wait_scatter(0, NCHUNK - 1)
    plsc.subcore_barrier()
    pltpu.sync_copy(acc_sh.at[pl.ds(row0, ROWS_PER_TILE)],
                    out_hbm.at[c, pl.ds(row0, ROWS_PER_TILE)])


def _sc_messages(ids, dst2d, table2, zeros):
    f = pl.kernel(
        _sc_body,
        out_type=jax.ShapeDtypeStruct((NC, N_PAD, HALF), jnp.float32),
        mesh=plsc.VectorSubcoreMesh(core_axis_name="c", subcore_axis_name="s",
                                    num_cores=NC, num_subcores=NS),
        scratch_types=[
            pltpu.VMEM_SHARED((N_PAD, HALF), jnp.float32),
            pltpu.VMEM((E_PER_TILE,), jnp.int32),
            pltpu.VMEM((NCHUNK, CHUNK), jnp.int32),
            pltpu.VMEM((CHUNK, HALF), jnp.float32),
            pltpu.VMEM((CHUNK, HALF), jnp.float32),
            pltpu.SemaphoreType.DMA,
            pltpu.SemaphoreType.DMA,
            pltpu.SemaphoreType.DMA,
            pltpu.SemaphoreType.DMA,
            pltpu.SemaphoreType.DMA,
            pltpu.SemaphoreType.DMA,
        ],
    )
    return f(ids, dst2d, table2, zeros)


BN = 2000


def _mlp_body(msg_ref, table_ref, w1_ref, b1_ref, w2_ref, b2_ref, out_ref):
    x0 = msg_ref[0]
    x1 = msg_ref[1]
    h = jnp.dot(x0, w1_ref[:HALF, :], preferred_element_type=jnp.float32)
    h = h + jnp.dot(x1, w1_ref[HALF:, :], preferred_element_type=jnp.float32)
    h = jnp.maximum(h + b1_ref[...], 0.0)
    u = jnp.dot(h, w2_ref[...], preferred_element_type=jnp.float32)
    u = jnp.maximum(u + b2_ref[...], 0.0)
    out_ref[...] = table_ref[...] + u


def _mlp(msg, table, W1, b1, W2, b2):
    return pl.pallas_call(
        _mlp_body,
        grid=(N_NODES // BN,),
        in_specs=[
            pl.BlockSpec((NC, BN, HALF), lambda i: (0, i, 0)),
            pl.BlockSpec((BN, D_EMBED), lambda i: (i, 0)),
            pl.BlockSpec((D_EMBED, D_HIDDEN), lambda i: (0, 0)),
            pl.BlockSpec((1, D_HIDDEN), lambda i: (0, 0)),
            pl.BlockSpec((D_HIDDEN, D_EMBED), lambda i: (0, 0)),
            pl.BlockSpec((1, D_EMBED), lambda i: (0, 0)),
        ],
        out_specs=pl.BlockSpec((BN, D_EMBED), lambda i: (i, 0)),
        out_shape=jax.ShapeDtypeStruct((N_NODES, D_EMBED), jnp.float32),
    )(msg, table, W1, b1, W2, b2)


def kernel(edge_index, table, W1, b1, W2, b2):
    ids = ((edge_index[0] * 2).reshape(1, NS, E_PER_TILE)
           + jnp.arange(NC, dtype=jnp.int32).reshape(NC, 1, 1))
    dst2d = edge_index[1].reshape(NS, NCHUNK, CHUNK)
    table2 = table.reshape(NC * N_NODES, HALF)
    zeros = jnp.zeros((ROWS_PER_TILE, HALF), jnp.float32)
    msg = _sc_messages(ids, dst2d, table2, zeros)
    return _mlp(msg, table, W1, b1.reshape(1, D_HIDDEN), W2, b2.reshape(1, D_EMBED))

# --- scband reference (transcript-rebuilt; emitter-appended) ---
"""Pipeline reference for scband-gnnmodel-87832081203928 (READ-ONLY COPY).

The authoritative reference and input builder live on the scoring server;
editing this copy changes nothing except your own understanding.
"""

import jax, jax.numpy as jnp
import numpy as np

NUM_NODES = 10000
EMBED_DIM = 256
HIDDEN_DIM = 512
NUM_EDGES = 160000


def setup_inputs(seed: int = 0) -> dict:
    key = jax.random.key(seed)
    k_edge, k_tab, k_w1, k_b1, k_w2, k_b2 = jax.random.split(key, 6)
    edge_index = jax.random.randint(k_edge, (2, NUM_EDGES), 0, NUM_NODES, dtype=jnp.int64 if jax.config.jax_enable_x64 else jnp.int32).astype(jnp.int32)
    table = jax.random.normal(k_tab, (NUM_NODES, EMBED_DIM), dtype=jnp.float32)
    W1 = jax.random.normal(k_w1, (EMBED_DIM, HIDDEN_DIM), dtype=jnp.float32) * (1.0 / np.sqrt(EMBED_DIM))
    b1 = jax.random.normal(k_b1, (HIDDEN_DIM,), dtype=jnp.float32) * 0.01
    W2 = jax.random.normal(k_w2, (HIDDEN_DIM, EMBED_DIM), dtype=jnp.float32) * (1.0 / np.sqrt(HIDDEN_DIM))
    b2 = jax.random.normal(k_b2, (EMBED_DIM,), dtype=jnp.float32) * 0.01
    return {"edge_index": edge_index, "table": table, "W1": W1, "b1": b1, "W2": W2, "b2": b2}


def reference(edge_index, table, W1, b1, W2, b2):
    # embeddings = embedding(arange(num_nodes)) == full table
    embeddings = table
    src = edge_index[0]
    dst = edge_index[1]
    # message passing: scatter-add of source embeddings into destination rows
    gathered = jnp.take(embeddings, src, axis=0)            # gather  [E, D]
    messages = jnp.zeros_like(embeddings).at[dst].add(gathered)  # scatter-add [N, D]
    aggregated = jax.nn.relu(messages @ W1 + b1)
    updated = jax.nn.relu(aggregated @ W2 + b2)
    return embeddings + updated

if __name__ == "__main__":
    import jax
    _d = setup_inputs()
    print(jax.jit(kernel)(*tuple(_d.values())))

</pallas_src>

<mosaic_0001>
#map = affine_map<(d0, d1) -> (0, 0, 0)>
#map1 = affine_map<(d0, d1) -> (0, 0)>
module attributes {stable_mosaic.version = 14 : i64} {
  func.func @_sc_body(%arg0: i32, %arg1: i32, %arg2: memref<2x16x10000xi32, #tpu.memory_space<hbm>>, %arg3: memref<16x125x80xi32, #tpu.memory_space<hbm>>, %arg4: memref<20000x128xf32, #tpu.memory_space<hbm>>, %arg5: memref<640x128xf32, #tpu.memory_space<hbm>>, %arg6: memref<2x10240x128xf32, #tpu.memory_space<hbm>>, %arg7: memref<10240x128xf32, #tpu.memory_space<vmem_shared>>, %arg8: memref<10000xi32, #tpu.memory_space<vmem>>, %arg9: memref<125x80xi32, #tpu.memory_space<vmem>>, %arg10: memref<80x128xf32, #tpu.memory_space<vmem>>, %arg11: memref<80x128xf32, #tpu.memory_space<vmem>>, %arg12: memref<!tpu.dma_semaphore, #tpu.memory_space<semaphore_mem>>, %arg13: memref<!tpu.dma_semaphore, #tpu.memory_space<semaphore_mem>>, %arg14: memref<!tpu.dma_semaphore, #tpu.memory_space<semaphore_mem>>, %arg15: memref<!tpu.dma_semaphore, #tpu.memory_space<semaphore_mem>>, %arg16: memref<!tpu.dma_semaphore, #tpu.memory_space<semaphore_mem>>, %arg17: memref<!tpu.dma_semaphore, #tpu.memory_space<semaphore_mem>>) attributes {dimension_semantics = [#tpu.dimension_semantics<core_parallel>, #tpu.dimension_semantics<subcore_parallel>], iteration_bounds = array<i64: 2, 16>, scalar_prefetch = 0 : i64, scratch_operands = 11 : i64, tpu.core_type = #tpu.core_type<sc_vector_subcore>, window_params = [{transform_indices = #map}, {transform_indices = #map}, {transform_indices = #map1}, {transform_indices = #map1}, {transform_indices = #map}]} {
    %mul3A = arith.constant 640 : i32
    %mul3A_0 = arith.muli %arg1, %mul3A : i32
    %dma_start3A = arith.constant 0 : i32
    %dma_start3A_1 = tpu.memref_slice %arg2[%arg0, %arg1, %dma_start3A] : memref<2x16x10000xi32, #tpu.memory_space<hbm>> -> memref<1x1x10000xi32, #tpu.memory_space<hbm>>
    %dma_start3A_2 = tpu.memref_squeeze %dma_start3A_1 : memref<1x1x10000xi32, #tpu.memory_space<hbm>> -> memref<10000xi32, #tpu.memory_space<hbm>>
    %dma_start3A_3 = arith.constant 0 : i32
    %dma_start3A_4 = tpu.memref_slice %arg2[%arg0, %arg1, %dma_start3A_3] : memref<2x16x10000xi32, #tpu.memory_space<hbm>> -> memref<1x1x10000xi32, #tpu.memory_space<hbm>>
    %dma_start3A_5 = tpu.memref_squeeze %dma_start3A_4 : memref<1x1x10000xi32, #tpu.memory_space<hbm>> -> memref<10000xi32, #tpu.memory_space<hbm>>
    tpu.enqueue_dma source(%dma_start3A_5 : memref<10000xi32, #tpu.memory_space<hbm>>) target(%arg8 : memref<10000xi32, #tpu.memory_space<vmem>>) target_semaphore(%arg12 : memref<!tpu.dma_semaphore, #tpu.memory_space<semaphore_mem>>)
    %dma_start3A_6 = arith.constant 0 : i32
    %dma_start3A_7 = arith.constant 0 : i32
    %dma_start3A_8 = tpu.memref_slice %arg3[%arg1, %dma_start3A_6, %dma_start3A_7] : memref<16x125x80xi32, #tpu.memory_space<hbm>> -> memref<1x125x80xi32, #tpu.memory_space<hbm>>
    %dma_start3A_9 = tpu.memref_squeeze %dma_start3A_8 : memref<1x125x80xi32, #tpu.memory_space<hbm>> -> memref<125x80xi32, #tpu.memory_space<hbm>>
    %dma_start3A_10 = arith.constant 0 : i32
    %dma_start3A_11 = arith.constant 0 : i32
    %dma_start3A_12 = tpu.memref_slice %arg3[%arg1, %dma_start3A_10, %dma_start3A_11] : memref<16x125x80xi32, #tpu.memory_space<hbm>> -> memref<1x125x80xi32, #tpu.memory_space<hbm>>
    %dma_start3A_13 = tpu.memref_squeeze %dma_start3A_12 : memref<1x125x80xi32, #tpu.memory_space<hbm>> -> memref<125x80xi32, #tpu.memory_space<hbm>>
    tpu.enqueue_dma source(%dma_start3A_13 : memref<125x80xi32, #tpu.memory_space<hbm>>) target(%arg9 : memref<125x80xi32, #tpu.memory_space<vmem>>) target_semaphore(%arg13 : memref<!tpu.dma_semaphore, #tpu.memory_space<semaphore_mem>>)
    %dma_start3A_14 = arith.constant 0 : i32
    %dma_start3A_15 = tpu.memref_slice %arg7[%mul3A_0, %dma_start3A_14] : memref<10240x128xf32, #tpu.memory_space<vmem_shared>> -> memref<640x128xf32, #tpu.memory_space<vmem_shared>>
    tpu.enqueue_dma source(%arg5 : memref<640x128xf32, #tpu.memory_space<hbm>>) target(%dma_start3A_15 : memref<640x128xf32, #tpu.memory_space<vmem_shared>>) target_semaphore(%arg14 : memref<!tpu.dma_semaphore, #tpu.memory_space<semaphore_mem>>)
    %dma_wait3A = arith.constant 0 : i32
    %dma_wait3A_16 = tpu.memref_slice %arg2[%arg0, %arg1, %dma_wait3A] : memref<2x16x10000xi32, #tpu.memory_space<hbm>> -> memref<1x1x10000xi32, #tpu.memory_space<hbm>>
    %dma_wait3A_17 = tpu.memref_squeeze %dma_wait3A_16 : memref<1x1x10000xi32, #tpu.memory_space<hbm>> -> memref<10000xi32, #tpu.memory_space<hbm>>
    %dma_wait3A_18 = arith.constant 0 : i32
    %dma_wait3A_19 = tpu.memref_slice %arg2[%arg0, %arg1, %dma_wait3A_18] : memref<2x16x10000xi32, #tpu.memory_space<hbm>> -> memref<1x1x10000xi32, #tpu.memory_space<hbm>>
    %dma_wait3A_20 = tpu.memref_squeeze %dma_wait3A_19 : memref<1x1x10000xi32, #tpu.memory_space<hbm>> -> memref<10000xi32, #tpu.memory_space<hbm>>
    tpu.wait_dma2 semaphore(%arg12 : memref<!tpu.dma_semaphore, #tpu.memory_space<semaphore_mem>>) src(%dma_wait3A_20 : memref<10000xi32, #tpu.memory_space<hbm>>) dst(%arg8 : memref<10000xi32, #tpu.memory_space<vmem>>)
    %dma_wait3A_21 = arith.constant 0 : i32
    %dma_wait3A_22 = arith.constant 0 : i32
    %dma_wait3A_23 = tpu.memref_slice %arg3[%arg1, %dma_wait3A_21, %dma_wait3A_22] : memref<16x125x80xi32, #tpu.memory_space<hbm>> -> memref<1x125x80xi32, #tpu.memory_space<hbm>>
    %dma_wait3A_24 = tpu.memref_squeeze %dma_wait3A_23 : memref<1x125x80xi32, #tpu.memory_space<hbm>> -> memref<125x80xi32, #tpu.memory_space<hbm>>
    %dma_wait3A_25 = arith.constant 0 : i32
    %dma_wait3A_26 = arith.constant 0 : i32
    %dma_wait3A_27 = tpu.memref_slice %arg3[%arg1, %dma_wait3A_25, %dma_wait3A_26] : memref<16x125x80xi32, #tpu.memory_space<hbm>> -> memref<1x125x80xi32, #tpu.memory_space<hbm>>
    %dma_wait3A_28 = tpu.memref_squeeze %dma_wait3A_27 : memref<1x125x80xi32, #tpu.memory_space<hbm>> -> memref<125x80xi32, #tpu.memory_space<hbm>>
    tpu.wait_dma2 semaphore(%arg13 : memref<!tpu.dma_semaphore, #tpu.memory_space<semaphore_mem>>) src(%dma_wait3A_28 : memref<125x80xi32, #tpu.memory_space<hbm>>) dst(%arg9 : memref<125x80xi32, #tpu.memory_space<vmem>>)
    %dma_wait3A_29 = arith.constant 0 : i32
    %dma_wait3A_30 = tpu.memref_slice %arg7[%mul3A_0, %dma_wait3A_29] : memref<10240x128xf32, #tpu.memory_space<vmem_shared>> -> memref<640x128xf32, #tpu.memory_space<vmem_shared>>
    tpu.wait_dma2 semaphore(%arg14 : memref<!tpu.dma_semaphore, #tpu.memory_space<semaphore_mem>>) src(%arg5 : memref<640x128xf32, #tpu.memory_space<hbm>>) dst(%dma_wait3A_30 : memref<640x128xf32, #tpu.memory_space<vmem_shared>>)
    %barrier3A = arith.constant 0 : index
    tpu.barrier barrier_id(%barrier3A)
    %dma_start3A_31 = arith.constant 0 : i32
    %dma_start3A_32 = arith.constant 0 : i32
    %dma_start3A_33 = tpu.memref_slice %arg10[%dma_start3A_31, %dma_start3A_32] : memref<80x128xf32, #tpu.memory_space<vmem>> -> memref<40x128xf32, #tpu.memory_space<vmem>>
    %dma_start3A_34 = arith.constant 0 : i32
    %dma_start3A_35 = tpu.memref_slice %arg8[%dma_start3A_34] : memref<10000xi32, #tpu.memory_space<vmem>> -> memref<40xi32, #tpu.memory_space<vmem>>
    %dma_start3A_36 = arith.constant 0 : i32
    %dma_start3A_37 = arith.constant 0 : i32
    %dma_start3A_38 = tpu.memref_slice %arg4[%dma_start3A_36, %dma_start3A_37] : memref<20000x128xf32, #tpu.memory_space<hbm>> -> memref<20000x128xf32, #tpu.memory_space<hbm>>
    tpu.enqueue_indirect_dma source(%dma_start3A_38 : memref<20000x128xf32, #tpu.memory_space<hbm>>) target(%dma_start3A_33 : memref<40x128xf32, #tpu.memory_space<vmem>>) offsets(%dma_start3A_35 : memref<40xi32, #tpu.memory_space<vmem>>) semaphore(%arg12 : memref<!tpu.dma_semaphore, #tpu.memory_space<semaphore_mem>>)
    %dma_start3A_39 = arith.constant 40 : i32
    %dma_start3A_40 = arith.constant 0 : i32
    %dma_start3A_41 = tpu.memref_slice %arg10[%dma_start3A_39, %dma_start3A_40] : memref<80x128xf32, #tpu.memory_space<vmem>> -> memref<40x128xf32, #tpu.memory_space<vmem>>
    %dma_start3A_42 = arith.constant 40 : i32
    %dma_start3A_43 = tpu.memref_slice %arg8[%dma_start3A_42] : memref<10000xi32, #tpu.memory_space<vmem>> -> memref<40xi32, #tpu.memory_space<vmem>>
    %dma_start3A_44 = arith.constant 0 : i32
    %dma_start3A_45 = arith.constant 0 : i32
    %dma_start3A_46 = tpu.memref_slice %arg4[%dma_start3A_44, %dma_start3A_45] : memref<20000x128xf32, #tpu.memory_space<hbm>> -> memref<20000x128xf32, #tpu.memory_space<hbm>>
    tpu.enqueue_indirect_dma source(%dma_start3A_46 : memref<20000x128xf32, #tpu.memory_space<hbm>>) target(%dma_start3A_41 : memref<40x128xf32, #tpu.memory_space<vmem>>) offsets(%dma_start3A_43 : memref<40xi32, #tpu.memory_space<vmem>>) semaphore(%arg16 : memref<!tpu.dma_semaphore, #tpu.memory_space<semaphore_mem>>)
    %dma_start3A_47 = arith.constant 0 : i32
    %dma_start3A_48 = arith.constant 0 : i32
    %dma_start3A_49 = tpu.memref_slice %arg11[%dma_start3A_47, %dma_start3A_48] : memref<80x128xf32, #tpu.memory_space<vmem>> -> memref<40x128xf32, #tpu.memory_space<vmem>>
    %dma_start3A_50 = arith.constant 80 : i32
    %dma_start3A_51 = tpu.memref_slice %arg8[%dma_start3A_50] : memref<10000xi32, #tpu.memory_space<vmem>> -> memref<40xi32, #tpu.memory_space<vmem>>
    %dma_start3A_52 = arith.constant 0 : i32
    %dma_start3A_53 = arith.constant 0 : i32
    %dma_start3A_54 = tpu.memref_slice %arg4[%dma_start3A_52, %dma_start3A_53] : memref<20000x128xf32, #tpu.memory_space<hbm>> -> memref<20000x128xf32, #tpu.memory_space<hbm>>
    tpu.enqueue_indirect_dma source(%dma_start3A_54 : memref<20000x128xf32, #tpu.memory_space<hbm>>) target(%dma_start3A_49 : memref<40x128xf32, #tpu.memory_space<vmem>>) offsets(%dma_start3A_51 : memref<40xi32, #tpu.memory_space<vmem>>) semaphore(%arg13 : memref<!tpu.dma_semaphore, #tpu.memory_space<semaphore_mem>>)
    %dma_start3A_55 = arith.constant 40 : i32
    %dma_start3A_56 = arith.constant 0 : i32
    %dma_start3A_57 = tpu.memref_slice %arg11[%dma_start3A_55, %dma_start3A_56] : memref<80x128xf32, #tpu.memory_space<vmem>> -> memref<40x128xf32, #tpu.memory_space<vmem>>
    %dma_start3A_58 = arith.constant 120 : i32
    %dma_start3A_59 = tpu.memref_slice %arg8[%dma_start3A_58] : memref<10000xi32, #tpu.memory_space<vmem>> -> memref<40xi32, #tpu.memory_space<vmem>>
    %dma_start3A_60 = arith.constant 0 : i32
    %dma_start3A_61 = arith.constant 0 : i32
    %dma_start3A_62 = tpu.memref_slice %arg4[%dma_start3A_60, %dma_start3A_61] : memref<20000x128xf32, #tpu.memory_space<hbm>> -> memref<20000x128xf32, #tpu.memory_space<hbm>>
    tpu.enqueue_indirect_dma source(%dma_start3A_62 : memref<20000x128xf32, #tpu.memory_space<hbm>>) target(%dma_start3A_57 : memref<40x128xf32, #tpu.memory_space<vmem>>) offsets(%dma_start3A_59 : memref<40xi32, #tpu.memory_space<vmem>>) semaphore(%arg17 : memref<!tpu.dma_semaphore, #tpu.memory_space<semaphore_mem>>)
    %scan3A = arith.constant 0 : i32
    %scan3A_63 = arith.constant 63 : i32
    %scan3A_64 = arith.addi %scan3A, %scan3A_63 : i32
    %scan3A_65 = arith.constant 1 : i32
    scf.for %scan3A_82 = %scan3A to %scan3A_64 step %scan3A_65  : i32 {
      %mul3A_83 = arith.constant 2 : i32
      %mul3A_84 = arith.muli %scan3A_82, %mul3A_83 : i32
      %add3A = arith.constant 0 : i32
      %add3A_85 = arith.addi %add3A, %mul3A_84 : i32
      %add3A_86 = arith.constant 0 : i32
      %add3A_87 = arith.addi %add3A_85, %add3A_86 : i32
      %lt3A = arith.constant 125 : i32
      %lt3A_88 = arith.cmpi slt, %add3A_87, %lt3A : i32
      %convert_element_type3A = arith.extui %lt3A_88 : i1 to i32
      %cond3A = arith.constant 0 : i32
      %cond3A_89 = arith.cmpi ne, %convert_element_type3A, %cond3A : i32
      scf.if %cond3A_89 {
        %mul3A_97 = arith.constant 80 : i32
        %mul3A_98 = arith.muli %add3A_87, %mul3A_97 : i32
        %dma_wait3A_99 = arith.constant 0 : i32
        %dma_wait3A_100 = arith.constant 0 : i32
        %dma_wait3A_101 = tpu.memref_slice %arg10[%dma_wait3A_99, %dma_wait3A_100] : memref<80x128xf32, #tpu.memory_space<vmem>> -> memref<40x128xf32, #tpu.memory_space<vmem>>
        %dma_wait3A_102 = tpu.memref_slice %arg8[%mul3A_98] : memref<10000xi32, #tpu.memory_space<vmem>> -> memref<40xi32, #tpu.memory_space<vmem>>
        %dma_wait3A_103 = arith.constant 0 : i32
        %dma_wait3A_104 = arith.constant 0 : i32
        %dma_wait3A_105 = tpu.memref_slice %arg4[%dma_wait3A_103, %dma_wait3A_104] : memref<20000x128xf32, #tpu.memory_space<hbm>> -> memref<20000x128xf32, #tpu.memory_space<hbm>>
        tpu.wait_indirect_dma semaphore(%arg12 : memref<!tpu.dma_semaphore, #tpu.memory_space<semaphore_mem>>) src(%dma_wait3A_105 : memref<20000x128xf32, #tpu.memory_space<hbm>>) dst(%dma_wait3A_101 : memref<40x128xf32, #tpu.memory_space<vmem>>)
        %mul3A_106 = arith.constant 80 : i32
        %mul3A_107 = arith.muli %add3A_87, %mul3A_106 : i32
        %add3A_108 = arith.constant 40 : i32
        %add3A_109 = arith.addi %mul3A_107, %add3A_108 : i32
        %dma_wait3A_110 = arith.constant 40 : i32
        %dma_wait3A_111 = arith.constant 0 : i32
        %dma_wait3A_112 = tpu.memref_slice %arg10[%dma_wait3A_110, %dma_wait3A_111] : memref<80x128xf32, #tpu.memory_space<vmem>> -> memref<40x128xf32, #tpu.memory_space<vmem>>
        %dma_wait3A_113 = tpu.memref_slice %arg8[%add3A_109] : memref<10000xi32, #tpu.memory_space<vmem>> -> memref<40xi32, #tpu.memory_space<vmem>>
        %dma_wait3A_114 = arith.constant 0 : i32
        %dma_wait3A_115 = arith.constant 0 : i32
        %dma_wait3A_116 = tpu.memref_slice %arg4[%dma_wait3A_114, %dma_wait3A_115] : memref<20000x128xf32, #tpu.memory_space<hbm>> -> memref<20000x128xf32, #tpu.memory_space<hbm>>
        tpu.wait_indirect_dma semaphore(%arg16 : memref<!tpu.dma_semaphore, #tpu.memory_space<semaphore_mem>>) src(%dma_wait3A_116 : memref<20000x128xf32, #tpu.memory_space<hbm>>) dst(%dma_wait3A_112 : memref<40x128xf32, #tpu.memory_space<vmem>>)
        %dma_start3A_117 = arith.constant 0 : i32
        %dma_start3A_118 = tpu.memref_slice %arg9[%add3A_87, %dma_start3A_117] : memref<125x80xi32, #tpu.memory_space<vmem>> -> memref<1x80xi32, #tpu.memory_space<vmem>>
        %dma_start3A_119 = tpu.memref_squeeze %dma_start3A_118 : memref<1x80xi32, #tpu.memory_space<vmem>> -> memref<80xi32, #tpu.memory_space<vmem>>
        %dma_start3A_120 = arith.constant 0 : i32
        %dma_start3A_121 = arith.constant 0 : i32
        %dma_start3A_122 = tpu.memref_slice %arg7[%dma_start3A_120, %dma_start3A_121] : memref<10240x128xf32, #tpu.memory_space<vmem_shared>> -> memref<10240x128xf32, #tpu.memory_space<vmem_shared>>
        tpu.enqueue_indirect_dma source(%arg10 : memref<80x128xf32, #tpu.memory_space<vmem>>) target(%dma_start3A_122 : memref<10240x128xf32, #tpu.memory_space<vmem_shared>>) offsets(%dma_start3A_119 : memref<80xi32, #tpu.memory_space<vmem>>) semaphore(%arg14 : memref<!tpu.dma_semaphore, #tpu.memory_space<semaphore_mem>>) {add = true}
        %add3A_123 = arith.constant 2 : i32
        %add3A_124 = arith.addi %add3A_87, %add3A_123 : i32
        %lt3A_125 = arith.constant 125 : i32
        %lt3A_126 = arith.cmpi slt, %add3A_124, %lt3A_125 : i32
        %convert_element_type3A_127 = arith.extui %lt3A_126 : i1 to i32
        %cond3A_128 = arith.constant 0 : i32
        %cond3A_129 = arith.cmpi ne, %convert_element_type3A_127, %cond3A_128 : i32
        scf.if %cond3A_129 {
          %dma_wait3A_130 = arith.constant 0 : i32
          %dma_wait3A_131 = tpu.memref_slice %arg9[%add3A_87, %dma_wait3A_130] : memref<125x80xi32, #tpu.memory_space<vmem>> -> memref<1x80xi32, #tpu.memory_space<vmem>>
          %dma_wait3A_132 = tpu.memref_squeeze %dma_wait3A_131 : memref<1x80xi32, #tpu.memory_space<vmem>> -> memref<80xi32, #tpu.memory_space<vmem>>
          %dma_wait3A_133 = arith.constant 0 : i32
          %dma_wait3A_134 = arith.constant 0 : i32
          %dma_wait3A_135 = tpu.memref_slice %arg7[%dma_wait3A_133, %dma_wait3A_134] : memref<10240x128xf32, #tpu.memory_space<vmem_shared>> -> memref<10240x128xf32, #tpu.memory_space<vmem_shared>>
          tpu.wait_indirect_dma semaphore(%arg14 : memref<!tpu.dma_semaphore, #tpu.memory_space<semaphore_mem>>) src(%arg10 : memref<80x128xf32, #tpu.memory_space<vmem>>) dst(%dma_wait3A_135 : memref<10240x128xf32, #tpu.memory_space<vmem_shared>>)
          %add3A_136 = arith.constant 2 : i32
          %add3A_137 = arith.addi %add3A_87, %add3A_136 : i32
          %mul3A_138 = arith.constant 80 : i32
          %mul3A_139 = arith.muli %add3A_137, %mul3A_138 : i32
          %dma_start3A_140 = arith.constant 0 : i32
          %dma_start3A_141 = arith.constant 0 : i32
          %dma_start3A_142 = tpu.memref_slice %arg10[%dma_start3A_140, %dma_start3A_141] : memref<80x128xf32, #tpu.memory_space<vmem>> -> memref<40x128xf32, #tpu.memory_space<vmem>>
          %dma_start3A_143 = tpu.memref_slice %arg8[%mul3A_139] : memref<10000xi32, #tpu.memory_space<vmem>> -> memref<40xi32, #tpu.memory_space<vmem>>
          %dma_start3A_144 = arith.constant 0 : i32
          %dma_start3A_145 = arith.constant 0 : i32
          %dma_start3A_146 = tpu.memref_slice %arg4[%dma_start3A_144, %dma_start3A_145] : memref<20000x128xf32, #tpu.memory_space<hbm>> -> memref<20000x128xf32, #tpu.memory_space<hbm>>
          tpu.enqueue_indirect_dma source(%dma_start3A_146 : memref<20000x128xf32, #tpu.memory_space<hbm>>) target(%dma_start3A_142 : memref<40x128xf32, #tpu.memory_space<vmem>>) offsets(%dma_start3A_143 : memref<40xi32, #tpu.memory_space<vmem>>) semaphore(%arg12 : memref<!tpu.dma_semaphore, #tpu.memory_space<semaphore_mem>>)
          %mul3A_147 = arith.constant 80 : i32
          %mul3A_148 = arith.muli %add3A_137, %mul3A_147 : i32
          %add3A_149 = arith.constant 40 : i32
          %add3A_150 = arith.addi %mul3A_148, %add3A_149 : i32
          %dma_start3A_151 = arith.constant 40 : i32
          %dma_start3A_152 = arith.constant 0 : i32
          %dma_start3A_153 = tpu.memref_slice %arg10[%dma_start3A_151, %dma_start3A_152] : memref<80x128xf32, #tpu.memory_space<vmem>> -> memref<40x128xf32, #tpu.memory_space<vmem>>
          %dma_start3A_154 = tpu.memref_slice %arg8[%add3A_150] : memref<10000xi32, #tpu.memory_space<vmem>> -> memref<40xi32, #tpu.memory_space<vmem>>
          %dma_start3A_155 = arith.constant 0 : i32
          %dma_start3A_156 = arith.constant 0 : i32
          %dma_start3A_157 = tpu.memref_slice %arg4[%dma_start3A_155, %dma_start3A_156] : memref<20000x128xf32, #tpu.memory_space<hbm>> -> memref<20000x128xf32, #tpu.memory_space<hbm>>
          tpu.enqueue_indirect_dma source(%dma_start3A_157 : memref<20000x128xf32, #tpu.memory_space<hbm>>) target(%dma_start3A_153 : memref<40x128xf32, #tpu.memory_space<vmem>>) offsets(%dma_start3A_154 : memref<40xi32, #tpu.memory_space<vmem>>) semaphore(%arg16 : memref<!tpu.dma_semaphore, #tpu.memory_space<semaphore_mem>>)
        } else {
        }
      } else {
      }
      %add3A_90 = arith.constant 1 : i32
      %add3A_91 = arith.addi %add3A_85, %add3A_90 : i32
      %lt3A_92 = arith.constant 125 : i32
      %lt3A_93 = arith.cmpi slt, %add3A_91, %lt3A_92 : i32
      %convert_element_type3A_94 = arith.extui %lt3A_93 : i1 to i32
      %cond3A_95 = arith.constant 0 : i32
      %cond3A_96 = arith.cmpi ne, %convert_element_type3A_94, %cond3A_95 : i32
      scf.if %cond3A_96 {
        %mul3A_97 = arith.constant 80 : i32
        %mul3A_98 = arith.muli %add3A_91, %mul3A_97 : i32
        %dma_wait3A_99 = arith.constant 0 : i32
        %dma_wait3A_100 = arith.constant 0 : i32
        %dma_wait3A_101 = tpu.memref_slice %arg11[%dma_wait3A_99, %dma_wait3A_100] : memref<80x128xf32, #tpu.memory_space<vmem>> -> memref<40x128xf32, #tpu.memory_space<vmem>>
        %dma_wait3A_102 = tpu.memref_slice %arg8[%mul3A_98] : memref<10000xi32, #tpu.memory_space<vmem>> -> memref<40xi32, #tpu.memory_space<vmem>>
        %dma_wait3A_103 = arith.constant 0 : i32
        %dma_wait3A_104 = arith.constant 0 : i32
        %dma_wait3A_105 = tpu.memref_slice %arg4[%dma_wait3A_103, %dma_wait3A_104] : memref<20000x128xf32, #tpu.memory_space<hbm>> -> memref<20000x128xf32, #tpu.memory_space<hbm>>
        tpu.wait_indirect_dma semaphore(%arg13 : memref<!tpu.dma_semaphore, #tpu.memory_space<semaphore_mem>>) src(%dma_wait3A_105 : memref<20000x128xf32, #tpu.memory_space<hbm>>) dst(%dma_wait3A_101 : memref<40x128xf32, #tpu.memory_space<vmem>>)
        %mul3A_106 = arith.constant 80 : i32
        %mul3A_107 = arith.muli %add3A_91, %mul3A_106 : i32
        %add3A_108 = arith.constant 40 : i32
        %add3A_109 = arith.addi %mul3A_107, %add3A_108 : i32
        %dma_wait3A_110 = arith.constant 40 : i32
        %dma_wait3A_111 = arith.constant 0 : i32
        %dma_wait3A_112 = tpu.memref_slice %arg11[%dma_wait3A_110, %dma_wait3A_111] : memref<80x128xf32, #tpu.memory_space<vmem>> -> memref<40x128xf32, #tpu.memory_space<vmem>>
        %dma_wait3A_113 = tpu.memref_slice %arg8[%add3A_109] : memref<10000xi32, #tpu.memory_space<vmem>> -> memref<40xi32, #tpu.memory_space<vmem>>
        %dma_wait3A_114 = arith.constant 0 : i32
        %dma_wait3A_115 = arith.constant 0 : i32
        %dma_wait3A_116 = tpu.memref_slice %arg4[%dma_wait3A_114, %dma_wait3A_115] : memref<20000x128xf32, #tpu.memory_space<hbm>> -> memref<20000x128xf32, #tpu.memory_space<hbm>>
        tpu.wait_indirect_dma semaphore(%arg17 : memref<!tpu.dma_semaphore, #tpu.memory_space<semaphore_mem>>) src(%dma_wait3A_116 : memref<20000x128xf32, #tpu.memory_space<hbm>>) dst(%dma_wait3A_112 : memref<40x128xf32, #tpu.memory_space<vmem>>)
        %dma_start3A_117 = arith.constant 0 : i32
        %dma_start3A_118 = tpu.memref_slice %arg9[%add3A_91, %dma_start3A_117] : memref<125x80xi32, #tpu.memory_space<vmem>> -> memref<1x80xi32, #tpu.memory_space<vmem>>
        %dma_start3A_119 = tpu.memref_squeeze %dma_start3A_118 : memref<1x80xi32, #tpu.memory_space<vmem>> -> memref<80xi32, #tpu.memory_space<vmem>>
        %dma_start3A_120 = arith.constant 0 : i32
        %dma_start3A_121 = arith.constant 0 : i32
        %dma_start3A_122 = tpu.memref_slice %arg7[%dma_start3A_120, %dma_start3A_121] : memref<10240x128xf32, #tpu.memory_space<vmem_shared>> -> memref<10240x128xf32, #tpu.memory_space<vmem_shared>>
        tpu.enqueue_indirect_dma source(%arg11 : memref<80x128xf32, #tpu.memory_space<vmem>>) target(%dma_start3A_122 : memref<10240x128xf32, #tpu.memory_space<vmem_shared>>) offsets(%dma_start3A_119 : memref<80xi32, #tpu.memory_space<vmem>>) semaphore(%arg15 : memref<!tpu.dma_semaphore, #tpu.memory_space<semaphore_mem>>) {add = true}
        %add3A_123 = arith.constant 2 : i32
        %add3A_124 = arith.addi %add3A_91, %add3A_123 : i32
        %lt3A_125 = arith.constant 125 : i32
        %lt3A_126 = arith.cmpi slt, %add3A_124, %lt3A_125 : i32
        %convert_element_type3A_127 = arith.extui %lt3A_126 : i1 to i32
        %cond3A_128 = arith.constant 0 : i32
        %cond3A_129 = arith.cmpi ne, %convert_element_type3A_127, %cond3A_128 : i32
        scf.if %cond3A_129 {
          %dma_wait3A_130 = arith.constant 0 : i32
          %dma_wait3A_131 = tpu.memref_slice %arg9[%add3A_91, %dma_wait3A_130] : memref<125x80xi32, #tpu.memory_space<vmem>> -> memref<1x80xi32, #tpu.memory_space<vmem>>
          %dma_wait3A_132 = tpu.memref_squeeze %dma_wait3A_131 : memref<1x80xi32, #tpu.memory_space<vmem>> -> memref<80xi32, #tpu.memory_space<vmem>>
          %dma_wait3A_133 = arith.constant 0 : i32
          %dma_wait3A_134 = arith.constant 0 : i32
          %dma_wait3A_135 = tpu.memref_slice %arg7[%dma_wait3A_133, %dma_wait3A_134] : memref<10240x128xf32, #tpu.memory_space<vmem_shared>> -> memref<10240x128xf32, #tpu.memory_space<vmem_shared>>
          tpu.wait_indirect_dma semaphore(%arg15 : memref<!tpu.dma_semaphore, #tpu.memory_space<semaphore_mem>>) src(%arg11 : memref<80x128xf32, #tpu.memory_space<vmem>>) dst(%dma_wait3A_135 : memref<10240x128xf32, #tpu.memory_space<vmem_shared>>)
          %add3A_136 = arith.constant 2 : i32
          %add3A_137 = arith.addi %add3A_91, %add3A_136 : i32
          %mul3A_138 = arith.constant 80 : i32
          %mul3A_139 = arith.muli %add3A_137, %mul3A_138 : i32
          %dma_start3A_140 = arith.constant 0 : i32
          %dma_start3A_141 = arith.constant 0 : i32
          %dma_start3A_142 = tpu.memref_slice %arg11[%dma_start3A_140, %dma_start3A_141] : memref<80x128xf32, #tpu.memory_space<vmem>> -> memref<40x128xf32, #tpu.memory_space<vmem>>
          %dma_start3A_143 = tpu.memref_slice %arg8[%mul3A_139] : memref<10000xi32, #tpu.memory_space<vmem>> -> memref<40xi32, #tpu.memory_space<vmem>>
          %dma_start3A_144 = arith.constant 0 : i32
          %dma_start3A_145 = arith.constant 0 : i32
          %dma_start3A_146 = tpu.memref_slice %arg4[%dma_start3A_144, %dma_start3A_145] : memref<20000x128xf32, #tpu.memory_space<hbm>> -> memref<20000x128xf32, #tpu.memory_space<hbm>>
          tpu.enqueue_indirect_dma source(%dma_start3A_146 : memref<20000x128xf32, #tpu.memory_space<hbm>>) target(%dma_start3A_142 : memref<40x128xf32, #tpu.memory_space<vmem>>) offsets(%dma_start3A_143 : memref<40xi32, #tpu.memory_space<vmem>>) semaphore(%arg13 : memref<!tpu.dma_semaphore, #tpu.memory_space<semaphore_mem>>)
          %mul3A_147 = arith.constant 80 : i32
          %mul3A_148 = arith.muli %add3A_137, %mul3A_147 : i32
          %add3A_149 = arith.constant 40 : i32
          %add3A_150 = arith.addi %mul3A_148, %add3A_149 : i32
          %dma_start3A_151 = arith.constant 40 : i32
          %dma_start3A_152 = arith.constant 0 : i32
          %dma_start3A_153 = tpu.memref_slice %arg11[%dma_start3A_151, %dma_start3A_152] : memref<80x128xf32, #tpu.memory_space<vmem>> -> memref<40x128xf32, #tpu.memory_space<vmem>>
          %dma_start3A_154 = tpu.memref_slice %arg8[%add3A_150] : memref<10000xi32, #tpu.memory_space<vmem>> -> memref<40xi32, #tpu.memory_space<vmem>>
          %dma_start3A_155 = arith.constant 0 : i32
          %dma_start3A_156 = arith.constant 0 : i32
          %dma_start3A_157 = tpu.memref_slice %arg4[%dma_start3A_155, %dma_start3A_156] : memref<20000x128xf32, #tpu.memory_space<hbm>> -> memref<20000x128xf32, #tpu.memory_space<hbm>>
          tpu.enqueue_indirect_dma source(%dma_start3A_157 : memref<20000x128xf32, #tpu.memory_space<hbm>>) target(%dma_start3A_153 : memref<40x128xf32, #tpu.memory_space<vmem>>) offsets(%dma_start3A_154 : memref<40xi32, #tpu.memory_space<vmem>>) semaphore(%arg17 : memref<!tpu.dma_semaphore, #tpu.memory_space<semaphore_mem>>)
        } else {
        }
      } else {
      }
    }
    %scan3A_66 = arith.constant 63 : i32
    %dma_wait3A_67 = arith.constant 123 : i32
    %dma_wait3A_68 = arith.constant 0 : i32
    %dma_wait3A_69 = tpu.memref_slice %arg9[%dma_wait3A_67, %dma_wait3A_68] : memref<125x80xi32, #tpu.memory_space<vmem>> -> memref<1x80xi32, #tpu.memory_space<vmem>>
    %dma_wait3A_70 = tpu.memref_squeeze %dma_wait3A_69 : memref<1x80xi32, #tpu.memory_space<vmem>> -> memref<80xi32, #tpu.memory_space<vmem>>
    %dma_wait3A_71 = arith.constant 0 : i32
    %dma_wait3A_72 = arith.constant 0 : i32
    %dma_wait3A_73 = tpu.memref_slice %arg7[%dma_wait3A_71, %dma_wait3A_72] : memref<10240x128xf32, #tpu.memory_space<vmem_shared>> -> memref<10240x128xf32, #tpu.memory_space<vmem_shared>>
    tpu.wait_indirect_dma semaphore(%arg15 : memref<!tpu.dma_semaphore, #tpu.memory_space<semaphore_mem>>) src(%arg11 : memref<80x128xf32, #tpu.memory_space<vmem>>) dst(%dma_wait3A_73 : memref<10240x128xf32, #tpu.memory_space<vmem_shared>>)
    %dma_wait3A_74 = arith.constant 124 : i32
    %dma_wait3A_75 = arith.constant 0 : i32
    %dma_wait3A_76 = tpu.memref_slice %arg9[%dma_wait3A_74, %dma_wait3A_75] : memref<125x80xi32, #tpu.memory_space<vmem>> -> memref<1x80xi32, #tpu.memory_space<vmem>>
    %dma_wait3A_77 = tpu.memref_squeeze %dma_wait3A_76 : memref<1x80xi32, #tpu.memory_space<vmem>> -> memref<80xi32, #tpu.memory_space<vmem>>
    %dma_wait3A_78 = arith.constant 0 : i32
    %dma_wait3A_79 = arith.constant 0 : i32
    %dma_wait3A_80 = tpu.memref_slice %arg7[%dma_wait3A_78, %dma_wait3A_79] : memref<10240x128xf32, #tpu.memory_space<vmem_shared>> -> memref<10240x128xf32, #tpu.memory_space<vmem_shared>>
    tpu.wait_indirect_dma semaphore(%arg14 : memref<!tpu.dma_semaphore, #tpu.memory_space<semaphore_mem>>) src(%arg10 : memref<80x128xf32, #tpu.memory_space<vmem>>) dst(%dma_wait3A_80 : memref<10240x128xf32, #tpu.memory_space<vmem_shared>>)
    %barrier3A_81 = arith.constant 0 : index
    tpu.barrier barrier_id(%barrier3A_81)
    "tpu.region"() ({
      %run_scoped3A = tpu.sem_alloc : memref<!tpu.dma_semaphore, #tpu.memory_space<semaphore_mem>>
      %dma_start3A_82 = arith.constant 0 : i32
      %dma_start3A_83 = tpu.memref_slice %arg6[%arg0, %mul3A_0, %dma_start3A_82] : memref<2x10240x128xf32, #tpu.memory_space<hbm>> -> memref<1x640x128xf32, #tpu.memory_space<hbm>>
      %dma_start3A_84 = tpu.memref_squeeze %dma_start3A_83 : memref<1x640x128xf32, #tpu.memory_space<hbm>> -> memref<640x128xf32, #tpu.memory_space<hbm>>
      %dma_start3A_85 = arith.constant 0 : i32
      %dma_start3A_86 = tpu.memref_slice %arg7[%mul3A_0, %dma_start3A_85] : memref<10240x128xf32, #tpu.memory_space<vmem_shared>> -> memref<640x128xf32, #tpu.memory_space<vmem_shared>>
      tpu.enqueue_dma source(%dma_start3A_86 : memref<640x128xf32, #tpu.memory_space<vmem_shared>>) target(%dma_start3A_84 : memref<640x128xf32, #tpu.memory_space<hbm>>) target_semaphore(%run_scoped3A : memref<!tpu.dma_semaphore, #tpu.memory_space<semaphore_mem>>)
      %dma_wait3A_87 = arith.constant 0 : i32
      %dma_wait3A_88 = tpu.memref_slice %arg6[%arg0, %mul3A_0, %dma_wait3A_87] : memref<2x10240x128xf32, #tpu.memory_space<hbm>> -> memref<1x640x128xf32, #tpu.memory_space<hbm>>
      %dma_wait3A_89 = tpu.memref_squeeze %dma_wait3A_88 : memref<1x640x128xf32, #tpu.memory_space<hbm>> -> memref<640x128xf32, #tpu.memory_space<hbm>>
      %dma_wait3A_90 = arith.constant 0 : i32
      %dma_wait3A_91 = tpu.memref_slice %arg7[%mul3A_0, %dma_wait3A_90] : memref<10240x128xf32, #tpu.memory_space<vmem_shared>> -> memref<640x128xf32, #tpu.memory_space<vmem_shared>>
      tpu.wait_dma2 semaphore(%run_scoped3A : memref<!tpu.dma_semaphore, #tpu.memory_space<semaphore_mem>>) src(%dma_wait3A_91 : memref<640x128xf32, #tpu.memory_space<vmem_shared>>) dst(%dma_wait3A_89 : memref<640x128xf32, #tpu.memory_space<hbm>>)
      tpu.yield
    }) : () -> ()
    return
  }
}

module attributes {stable_mosaic.version = 14 : i64} {
  func.func @_mlp_body(%arg0: i32, %arg1: memref<2x2000x128xf32, #tpu.memory_space<vmem>>, %arg2: memref<2000x256xf32, #tpu.memory_space<vmem>>, %arg3: memref<256x512xf32, #tpu.memory_space<vmem>>, %arg4: memref<1x512xf32, #tpu.memory_space<vmem>>, %arg5: memref<512x256xf32, #tpu.memory_space<vmem>>, %arg6: memref<1x256xf32, #tpu.memory_space<vmem>>, %arg7: memref<2000x256xf32, #tpu.memory_space<vmem>>) attributes {dimension_semantics = [#tpu.dimension_semantics<arbitrary>], iteration_bounds = array<i64: 5>, scalar_prefetch = 0 : i64, scratch_operands = 0 : i64, tpu.core_type = #tpu.core_type<tc>, window_params = [{transform_indices = @transform_0, window_bounds = array<i64: 2, 2000, 128>}, {transform_indices = @transform_1, window_bounds = array<i64: 2000, 256>}, {pipeline_mode = #tpu.pipeline_mode<synchronous>, transform_indices = @transform_2, window_bounds = array<i64: 256, 512>}, {pipeline_mode = #tpu.pipeline_mode<synchronous>, transform_indices = @transform_3, window_bounds = array<i64: 1, 512>}, {pipeline_mode = #tpu.pipeline_mode<synchronous>, transform_indices = @transform_4, window_bounds = array<i64: 512, 256>}, {pipeline_mode = #tpu.pipeline_mode<synchronous>, transform_indices = @transform_5, window_bounds = array<i64: 1, 256>}, {transform_indices = @transform_6, window_bounds = array<i64: 2000, 256>}]} {
    %get3A = arith.constant 0 : index
    %get3A_0 = arith.constant 0 : index
    %get3A_1 = arith.constant 0 : index
    %get3A_2 = vector.load %arg1[%get3A, %get3A_0, %get3A_1] : memref<2x2000x128xf32, #tpu.memory_space<vmem>>, vector<1x2000x128xf32>
    %get3A_3 = vector.shape_cast %get3A_2 : vector<1x2000x128xf32> to vector<2000x128xf32>
    %get3A_4 = arith.constant 1 : index
    %get3A_5 = arith.constant 0 : index
    %get3A_6 = arith.constant 0 : index
    %get3A_7 = vector.load %arg1[%get3A_4, %get3A_5, %get3A_6] : memref<2x2000x128xf32, #tpu.memory_space<vmem>>, vector<1x2000x128xf32>
    %get3A_8 = vector.shape_cast %get3A_7 : vector<1x2000x128xf32> to vector<2000x128xf32>
    %get3A_9 = arith.constant 0 : index
    %get3A_10 = arith.constant 0 : index
    %get3A_11 = vector.load %arg3[%get3A_9, %get3A_10] : memref<256x512xf32, #tpu.memory_space<vmem>>, vector<128x512xf32>
    %dot_general3A = arith.constant dense<0.000000e+00> : vector<2000x512xf32>
    %dot_general3A_12 = tpu.matmul %get3A_3, %get3A_11, %dot_general3A {dimension_numbers = #tpu.dot_dimension_numbers<[1], [0], [0], [1], [0, 0, 1, 1], [], []>, transpose_lhs_hint = false} : vector<2000x128xf32>, vector<128x512xf32>, vector<2000x512xf32> -> vector<2000x512xf32>
    %get3A_13 = arith.constant 128 : index
    %get3A_14 = arith.constant 0 : index
    %get3A_15 = vector.load %arg3[%get3A_13, %get3A_14] : memref<256x512xf32, #tpu.memory_space<vmem>>, vector<128x512xf32>
    %dot_general3A_16 = arith.constant dense<0.000000e+00> : vector<2000x512xf32>
    %dot_general3A_17 = tpu.matmul %get3A_8, %get3A_15, %dot_general3A_16 {dimension_numbers = #tpu.dot_dimension_numbers<[1], [0], [0], [1], [0, 0, 1, 1], [], []>, transpose_lhs_hint = false} : vector<2000x128xf32>, vector<128x512xf32>, vector<2000x512xf32> -> vector<2000x512xf32>
    %add3A = arith.addf %dot_general3A_12, %dot_general3A_17 : vector<2000x512xf32>
    %get3A_18 = arith.constant 0 : index
    %get3A_19 = arith.constant 0 : index
    %get3A_20 = vector.load %arg4[%get3A_18, %get3A_19] : memref<1x512xf32, #tpu.memory_space<vmem>>, vector<1x512xf32>
    %add3A_21 = vector.broadcast %get3A_20 : vector<1x512xf32> to vector<2000x512xf32>
    %add3A_22 = arith.addf %add3A, %add3A_21 : vector<2000x512xf32>
    %max3A = arith.constant 0.000000e+00 : f32
    %max3A_23 = vector.broadcast %max3A : f32 to vector<2000x512xf32>
    %max3A_24 = arith.maximumf %add3A_22, %max3A_23 : vector<2000x512xf32>
    %get3A_25 = arith.constant 0 : index
    %get3A_26 = arith.constant 0 : index
    %get3A_27 = vector.load %arg5[%get3A_25, %get3A_26] : memref<512x256xf32, #tpu.memory_space<vmem>>, vector<512x256xf32>
    %dot_general3A_28 = arith.constant dense<0.000000e+00> : vector<2000x256xf32>
    %dot_general3A_29 = tpu.matmul %max3A_24, %get3A_27, %dot_general3A_28 {dimension_numbers = #tpu.dot_dimension_numbers<[1], [0], [0], [1], [0, 0, 1, 1], [], []>, transpose_lhs_hint = false} : vector<2000x512xf32>, vector<512x256xf32>, vector<2000x256xf32> -> vector<2000x256xf32>
    %get3A_30 = arith.constant 0 : index
    %get3A_31 = arith.constant 0 : index
    %get3A_32 = vector.load %arg6[%get3A_30, %get3A_31] : memref<1x256xf32, #tpu.memory_space<vmem>>, vector<1x256xf32>
    %add3A_33 = vector.broadcast %get3A_32 : vector<1x256xf32> to vector<2000x256xf32>
    %add3A_34 = arith.addf %dot_general3A_29, %add3A_33 : vector<2000x256xf32>
    %max3A_35 = arith.constant 0.000000e+00 : f32
    %max3A_36 = vector.broadcast %max3A_35 : f32 to vector<2000x256xf32>
    %max3A_37 = arith.maximumf %add3A_34, %max3A_36 : vector<2000x256xf32>
    %get3A_38 = arith.constant 0 : index
    %get3A_39 = arith.constant 0 : index
    %get3A_40 = vector.load %arg2[%get3A_38, %get3A_39] : memref<2000x256xf32, #tpu.memory_space<vmem>>, vector<2000x256xf32>
    %add3A_41 = arith.addf %get3A_40, %max3A_37 : vector<2000x256xf32>
    %swap3A = arith.constant 0 : index
    %swap3A_42 = arith.constant 0 : index
    %swap3A_43 = vector.load %arg7[%swap3A, %swap3A_42] : memref<2000x256xf32, #tpu.memory_space<vmem>>, vector<2000x256xf32>
    tpu.vector_store %arg7[%swap3A, %swap3A_42], %add3A_41 {strides = array<i32>} : memref<2000x256xf32, #tpu.memory_space<vmem>>, vector<2000x256xf32>,
    return
  }
  func.func @transform_0(%arg0: i32) -> (i32, i32, i32) {
    %c0_i32 = arith.constant 0 : i32
    %c0_i32_0 = arith.constant 0 : i32
    %c0_i32_1 = arith.constant 0 : i32
    return %c0_i32, %arg0, %c0_i32_0 : i32, i32, i32
  }
  func.func @transform_1(%arg0: i32) -> (i32, i32) {
    %c0_i32 = arith.constant 0 : i32
    %c0_i32_0 = arith.constant 0 : i32
    return %arg0, %c0_i32 : i32, i32
  }
  func.func @transform_2(%arg0: i32) -> (i32, i32) {
    %c0_i32 = arith.constant 0 : i32
    %c0_i32_0 = arith.constant 0 : i32
    %c0_i32_1 = arith.constant 0 : i32
    return %c0_i32, %c0_i32_0 : i32, i32
  }
  func.func @transform_3(%arg0: i32) -> (i32, i32) {
    %c0_i32 = arith.constant 0 : i32
    %c0_i32_0 = arith.constant 0 : i32
    %c0_i32_1 = arith.constant 0 : i32
    return %c0_i32, %c0_i32_0 : i32, i32
  }
  func.func @transform_4(%arg0: i32) -> (i32, i32) {
    %c0_i32 = arith.constant 0 : i32
    %c0_i32_0 = arith.constant 0 : i32
    %c0_i32_1 = arith.constant 0 : i32
    return %c0_i32, %c0_i32_0 : i32, i32
  }
  func.func @transform_5(%arg0: i32) -> (i32, i32) {
    %c0_i32 = arith.constant 0 : i32
    %c0_i32_0 = arith.constant 0 : i32
    %c0_i32_1 = arith.constant 0 : i32
    return %c0_i32, %c0_i32_0 : i32, i32
  }
  func.func @transform_6(%arg0: i32) -> (i32, i32) {
    %c0_i32 = arith.constant 0 : i32
    %c0_i32_0 = arith.constant 0 : i32
    return %arg0, %c0_i32 : i32, i32
  }
}

</mosaic_0001>

<sc_bundles>
// kernel: kernel.4.cloned.1.call-start
scs
__scs_entry_jumppad:
0x0: {  	(pc) =	sbr.rel $0x88, $3  }
0x1: {  	(tag) =	ssettag $0x0;
	lr =	simm.s32 $0x1  }
0x2: {  	[smem:$0x3F9B] =	sst lr;
	_ =	strace $0xD0000000  }
0x3: {  	_ = 	snop  }
0x4: {  	_ = 	snop  }
0x5: {  	_ = 	snop  }
0x6: {  	_ = 	snop  }
0x7: {  	_ = 	snop  }
__scs_overlays_trampoline_lowered:
0x8: {  	[smem:$0x3FAA] =	sst s0  }
0x9: {  	[smem:$0x3FAB] =	sst s1  }
0xa: {  	[smem:$0x3FAC] =	sst s2  }
0xb: {  	[smem:$0x3FAD] =	sst s3  }
0xc: {  	[smem:$0x3FAE] =	sst s4  }
0xd: {  	[smem:$0x3FAF] =	sst s5  }
0xe: {  	[smem:$0x3FB0] =	sst s6  }
0xf: {  	[smem:$0x3FB1] =	sst s7  }
0x10: {  	[smem:$0x3FB2] =	sst s8  }
0x11: {  	[smem:$0x3FB3] =	sst s9;
	s0 =	simm.s32 @!p0 $0x0  }
0x12: {  	s1 =	sld [smem:$0x3F99];
	s0 =	simm.s32 @p0 $0x1  }
0x13: {  	[smem:$0x3FB4] =	sst s0;
	s0 =	simm.s32 @!p1 $0x0  }
0x14: {  	s2 =	sld [smem:$0x3F98];
	s0 =	simm.s32 @p1 $0x1  }
0x15: {  	[smem:$0x3FB5] =	sst s0;
	s0 =	simm.s32 @!p2 $0x0  }
0x16: {  	s3 =	sld [smem:$0x3FDB];
	s0 =	simm.s32 @p2 $0x1  }
0x17: {  	s4 =	simm.s32 $0x1BF5;
	[smem:$0x3FB7] =	sst s0  }
0x18: {  	s0 =	sld [smem:$0x3F9A];
	_ =	swait.ge [sflag:s4], $0x0  }
0x19: {  	s7 =	sld [smem:$0x3F9B]  }
0x1a: {  	s8 =	sadd.s32 $0xFFFFE003, lr  }
0x1b: {  	s9 =	sadd.s32 $0xFFFFFEF7, lr;
	s5 =	simm.s32 $0xFFFFFFFF;
	p2 =	slt.u32 s8, $0xFFFFF086  }
0x1c: {  	p1 =	slt.u32 s9, $0xF7A;
	s5 =	simm.s32 @!p2 $0x0  }
0x1d: {  	s5 =	simm.s32 @p1 $0x1;
	p0 =	seq.s32 s7, s2  }
0x1e: {  	s7 =	smul.u32 @!p0 $0xF7A, s2;
	p2 =	seq.s32 @!p0 s5, $0x0  }
0x1f: {  	s9 =	smul.u32 $0xF7A, s1;
	s8 =	simm.s32 @!p0 $0x1BF5;
	p2 =	por !p2, p0  }
0x20: {  	[sflag:s8] =	ssyncset.s32 @!p0 $0xFFFFF086;
	s6 =	sadd.s32 @!p0 s3, s7;
	s7 =	simm.s32 @!p0 $0x108  }
0x21: {  	s3 =	sadd.s32 s3, s9;
	s6 =	sadd.s32 @!p0 $0x88, s6;
	s7 =	simm.s32 @p2 $0x1082  }
0x22: {  	[simem:s7], [sflag:s8] =	dma.local @!p0 [hbm:s6], $0xF7A  }
0x23: {  	s9 =	sor.u32 $0xD0000000, s2;
	s6 =	simm.s32 $0x108;
	_ =	swait.ge @!p0 [sflag:s8], $0x0  }
0x24: {  	s3 =	sadd.s32 $0x88, s3;
	s6 =	simm.s32 @!p1 $0x1082;
	[sflag:s4] =	ssyncset.s32 $0xFFFFF086  }
0x25: {  	[simem:s6], [sflag:s4] =	dma.local [hbm:s3], $0xF7A  }
0x26: {  	[smem:$0x3F9B] =	sst s1;
	(tag) =	ssettag s2;
	_ =	strace s9  }
0x27: {  	s1 =	sld [smem:$0x3FAB]  }
0x28: {  	s2 =	sld [smem:$0x3FAC]  }
0x29: {  	s4 =	sld [smem:$0x3FAE]  }
0x2a: {  	p0 =	seq.s32 s5, $0x0;
	s5 =	sld [smem:$0x3FAF]  }
0x2b: {  	s6 =	sld [smem:$0x3FB0]  }
0x2c: {  	s7 =	sld [smem:$0x3FB1]  }
0x2d: {  	s3 =	simm.s32 $0x108;
	s8 =	sld [smem:$0x3FB2]  }
0x2e: {  	s3 =	simm.s32 @!p0 $0x1082;
	s9 =	sld [smem:$0x3FB3]  }
0x2f: {  	lr =	sadd.s32 s0, s3;
	s0 =	sld [smem:$0x3FAA]  }
0x30: {  	s3 =	sld [smem:$0x3FAD]  }
0x31: {  	[smem:$0x3FB6] =	sst s10  }
0x32: {  	s10 =	sld [smem:$0x3FB4];
	_ =	sdelay $0x3  }
0x33: {  	p0 =	seq.s32 s10, $0x1;
	s10 =	sld [smem:$0x3FB6];
	_ =	sdelay $0x3  }
0x34: {  	[smem:$0x3FB6] =	sst s10  }
0x35: {  	s10 =	sld [smem:$0x3FB5];
	_ =	sdelay $0x3  }
0x36: {  	p1 =	seq.s32 s10, $0x1;
	s10 =	sld [smem:$0x3FB6];
	_ =	sdelay $0x3  }
0x37: {  	[smem:$0x3FB6] =	sst s10  }
0x38: {  	s10 =	sld [smem:$0x3FB7]  }
0x39: {  	_ = 	snop;
	(pc) =	sbr.ind lr, $3  }
0x3a: {  	_ = 	snop  }
0x3b: {  	_ = 	snop  }
0x3c: {  	p2 =	seq.s32 s10, $0x1;
	s10 =	sld [smem:$0x3FB6]  }
0x3d: {  	_ =	shalt  }
0x3e: {  	_ =	shalt  }
0x3f: {  	_ =	shalt  }
0x40: {  	_ =	shalt  }
0x41: {  	_ =	shalt  }
0x42: {  	_ =	shalt  }
0x43: {  	_ =	shalt  }
0x44: {  	_ =	shalt  }
0x45: {  	_ =	shalt  }
0x46: {  	_ =	shalt  }
0x47: {  	_ =	shalt  }
0x48: {  	_ =	shalt  }
0x49: {  	_ =	shalt  }
0x4a: {  	_ =	shalt  }
0x4b: {  	_ =	shalt  }
0x4c: {  	_ =	shalt  }
0x4d: {  	_ =	shalt  }
0x4e: {  	_ =	shalt  }
0x4f: {  	_ =	shalt  }
0x50: {  	_ =	shalt  }
0x51: {  	_ =	shalt  }
0x52: {  	_ =	shalt  }
0x53: {  	_ =	shalt  }
0x54: {  	_ =	shalt  }
0x55: {  	_ =	shalt  }
0x56: {  	_ =	shalt  }
0x57: {  	_ =	shalt  }
0x58: {  	_ =	shalt  }
0x59: {  	_ =	shalt  }
0x5a: {  	_ =	shalt  }
0x5b: {  	_ =	shalt  }
0x5c: {  	_ =	shalt  }
0x5d: {  	_ =	shalt  }
0x5e: {  	_ =	shalt  }
0x5f: {  	_ =	shalt  }
0x60: {  	_ =	shalt  }
0x61: {  	_ =	shalt  }
0x62: {  	_ =	shalt  }
0x63: {  	_ =	shalt  }
0x64: {  	_ =	shalt  }
0x65: {  	_ =	shalt  }
0x66: {  	_ =	shalt  }
0x67: {  	_ =	shalt  }
0x68: {  	_ =	shalt  }
0x69: {  	_ =	shalt  }
0x6a: {  	_ =	shalt  }
0x6b: {  	_ =	shalt  }
0x6c: {  	_ =	shalt  }
0x6d: {  	_ =	shalt  }
0x6e: {  	_ =	shalt  }
0x6f: {  	_ =	shalt  }
0x70: {  	_ =	shalt  }
0x71: {  	_ =	shalt  }
0x72: {  	_ =	shalt  }
0x73: {  	_ =	shalt  }
0x74: {  	_ =	shalt  }
0x75: {  	_ =	shalt  }
0x76: {  	_ =	shalt  }
0x77: {  	_ =	shalt  }
0x78: {  	_ =	shalt  }
0x79: {  	_ =	shalt  }
0x7a: {  	_ =	shalt  }
0x7b: {  	_ =	shalt  }
0x7c: {  	_ =	shalt  }
0x7d: {  	_ =	shalt  }
0x7e: {  	_ =	shalt  }
0x7f: {  	_ =	shalt  }
0x80: {  	_ =	shalt  }
0x81: {  	_ =	shalt  }
0x82: {  	_ =	shalt  }
0x83: {  	_ =	shalt  }
0x84: {  	_ =	shalt  }
0x85: {  	_ =	shalt  }
0x86: {  	_ =	shalt  }
0x87: {  	_ =	shalt  }
.Lfunc_end0:
.L_simem_size_0:
called_computation_lowered:
.L_overlay_start_0:
0x88: {  	s2 =	sld [smem:$0x3FD9]  }
0x89: {  	s3 =	sld [smem:$0x3FFE];
	_ =	sdelay $0x1  }
0x8a: {  	s1 =	srdreg.scid  }
0x8b: {  	s0 =	sand.u32 $0x1, s1  }
0x8c: {  	s17 =	sshll.u32 s0, $0xA;
	s2 =	sadd.s32 s3, s2  }
0x8d: {  	s2 =	sadd.s32 s2, s17  }
0x8e: {  	[smem:$0x3FC2] =	sst s2  }
0x8f: {  	_ = 	snop  }
0x90: {  	s2 =	sld [smem:$0x3FD0];
	(tm) =	ssettm $0x1  }
0x91: {  	s18 =	sld [smem:$0x3FFB];
	_ =	sdelay $0x3  }
0x92: {  	_ =	strace s18  }
0x93: {  	s3 =	sld [smem:$0x3FFC];
	_ =	sdelay $0x3  }
0x94: {  	_ =	strace s3  }
0x95: {  	s3 =	sld [smem:$0x3FFD];
	_ =	sdelay $0x3  }
0x96: {  	_ =	strace s3  }
0x97: {  	_ =	strace $0x8FFFFFFF  }
0x98: {  	s19 =	sld [smem:$0x3FDB];
	_ =	sdelay $0x1  }
0x99: {  	s4 =	simm.s32 $_scs_section_size  }
0x9a: {  	s5 =	simm.s32 $_size__tile_overlayer_lowered;
	s6 =	simm.s32 $_tile_overlayer_lowered  }
0x9b: {  	s22 =	simm.s32 $0x1BFF;
	s21 =	sshll.u32 s6, $0x1;
	s3 =	sadd.s32 s4, s19  }
0x9c: {  	s7 =	simm.s32 $0x0;
	s20 =	sshll.u32 s5, $0x1;
	s5 =	sadd.s32 s21, s3  }
0x9d: {  	[timem:s7], [sflag:s22] =	dma.local [hbm:s5], s20  }
0x9e: {  	_ =	swait.ge [sflag:s22], s20  }
0x9f: {  	s4 =	ssub.s32 $0x0, s20;
	[sflag:s22] =	ssyncset.done $0x0  }
0xa0: {  	[sflag:s22] =	ssyncadd.s32 s4;
	_ =	sdelay $0x1  }
0xa1: {  	s23 =	simm.s32 $0x1B8B  }
0xa2: {  	_ =	swait.ge [sflag:s23], $0x1  }
0xa3: {  	[sflag:s23] =	ssyncset.done $0x0  }
0xa4: {  	s25 =	simm.s32 $0x1B8E;
	s24 =	sld [smem:$0x3FFE];
	[sflag:s23] =	ssyncadd.s32 $0xFFFFFFFF  }
0xa5: {  	s26 =	simm.s32 $execute0_lowered;
	[smem:$0x3FD2] =	sst s25  }
0xa6: {  	s5 =	sshll.u32 s26, $0x1;
	_ =	strace $0x80000046;
	[dreg:$0x1] =	wrdreg $0xFFFFFFFF  }
0xa7: {  	s28 =	simm.s32 $_size_execute0_lowered;
	s3 =	sadd.s32 s3, s5;
	[dreg:$0x0] =	wrdreg $0x0  }
0xa8: {  	s5 =	sshll.u32 s28, $0x1;
	[dreg:$0x2] =	wrdreg s3  }
0xa9: {  	[dreg:$0x3] =	wrdreg s5  }
0xaa: {  	[dreg:$0x4] =	wrdreg $0xC0  }
0xab: {  	_ =	task [dreg:s7], $0x5FFFF  }
0xac: {  	[dreg:$0x1] =	wrdreg $0xFFFFFFFF  }
0xad: {  	[dreg:$0x0] =	wrdreg $0x60  }
0xae: {  	[dreg:$0x2] =	wrdreg s24  }
0xaf: {  	[dreg:$0x3] =	wrdreg s2  }
0xb0: {  	[dreg:$0x4] =	wrdreg $0x0  }
0xb1: {  	[dreg:$0x5] =	wrdreg $0x9  }
0xb2: {  	_ =	task.clear_ibuf [dreg:s7], $0x6FFFF;
	_ =	strace $0x90000046  }
0xb3: {  	s29 =	simm.s32 $0x9;
	_ =	strace $0x80000048  }
0xb4: {  	_ =	swait.ge [sflag:s29], $0x1  }
0xb5: {  	[sflag:s29] =	ssyncadd.s32 $0xFFFFFFFF  }
0xb6: {  	_ =	strace $0x90000048  }
0xb7: {  	_ =	sfence  }
0xb8: {  	s30 =	sld [smem:$0x0];
	_ =	sdelay $0x2  }
0xb9: {  	s31 =	sshll.u32 s1, $0xD;
	s1 =	sshrl.u32 s1, $0x2  }
0xba: {  	s3 =	sand.u32 $0x4000, s31;
	s1 =	sadd.s32 s1, s30  }
0xbb: {  	s0 =	sor.u32 s3, s0;
	s1 =	sshll.u32 s1, $0x11  }
0xbc: {  	s0 =	sor.u32 s1, s0  }
0xbd: {  	s0 =	sadd.s32 $0x8F2B, s0  }
0xbe: {  	[sflag:s0] =	ssyncadd.remote.s32 $0x1  }
0xbf: {  	_ =	sfence.sel $0xFFFF  }
0xc0: {  	[dreg:$0x0] =	wrdreg $0xFFFFFFFF;
	(pc) =	sbr.abs _section_cstart, $3  }
0xc1: {  	[dreg:$0x1] =	wrdreg $0xFFFFFFFF  }
0xc2: {  	_ =	task.clear_ibuf [dreg:s7], $0x2FFFF;
	_ =	strace $0x9FFFFFFF  }
0xc3: {  	(tm) =	ssettm $0x7FFFFFFF  }
tec
execute0_lowered:
.L_overlay_start_1:
0x0: {  	(tag) =	ssettag $0x1  }
0x1: {  	s0 =	srdreg.scid;
	s1 =	rddreg [dreg:$0x0]  }
0x2: {  	s10 =	stileid.u32;
	s2 =	rddreg [dreg:$0x1];
	s22 =	simm.s32 $0x0  }
0x3: {  	s14 =	simm.s32 $0x14000;
	s17 =	simm.s32 $0x1;
	s18 =	simm.s32 $0x2  }
0x4: {  	s19 =	simm.s32 $0x3;
	s20 =	simm.s32 $0x28;
	s28 =	simm.s32 $0x1E380  }
0x5: {  	s29 =	simm.s32 $0x5;
	s30 =	simm.s32 $0x50;
	s31 =	simm.s32 $0x6  }
0x6: {  	s12 =	simm.s32 $0x1A580;
	s13 =	simm.s32 $0x7;
	s24 =	smul.u32 $0x14000, s10  }
0x7: {  	s15 =	simm.s32 $0x0;
	s0 =	sand.u32 $0x1, s0;
	s9 =	smul.u32 $0x50000, s10  }
0x8: {  	s3 =	sshrl.u32 s10, $0x3;
	s6 =	sshll.u32 s10, $0x7;
	s4 =	smul.u32 $0x27800, s0  }
0x9: {  	[smem:$0x7FF] =	sst s22;
	s7 =	sshll.u32 s10, $0xB;
	s5 =	smul.u32 $0x13C00, s3  }
0xa: {  	s3 =	rddreg [dreg:$0x2];
	s21 =	sand.u32 $0x380, s6;
	s23 =	smul.u32 $0x140000, s0  }
0xb: {  	_ =	strace $0x80000047;
	s8 =	sadd.s32 s7, s1;
	s0 =	ssub.s32 $0x2, s0  }
0xc: {  	s7 =	sshll.u32 s10, $0x6;
	s25 =	sshrl.u32 s0, $0x1;
	s26 =	sshrl.u32 s9, $0x2  }
0xd: {  	s8 =	sadd.s32 $0x1200, s8;
	s9 =	sor.u32 $0x1C03, s7;
	s4 =	sadd.s32 s4, s5  }
0xe: {  	s5 =	sadd.s32 s24, s23;
	s0 =	ssub.s32 s0, s25;
	s23 =	simm.s32 $0x1BB80  }
0xf: {  	s25 =	simm.s32 $0x1CF80;
	s4 =	sor.u32 s21, s4;
	s6 =	sshrl.u32 s5, $0x3  }
0x10: {  	s5 =	sadd.s32 $0x13000, s1;
	s11 =	smax.u32 s0, $0x1;
	s4 =	sshrl.u32 s4, $0x3  }
0x11: {  	s21 =	simm.s32 $0x1A780;
	s4 =	sadd.s32 s4, s1;
	s1 =	sadd.s32 s6, s1  }
0x12: {  	s6 =	sadd.s32 $0x9200, s4;
	s4 =	sadd.s32 s26, s3;
	s10 =	sadd.s32 $0x15800, s1  }
0x13: {  	s1 =	simm.s32 $0x4;
	s16 =	sshrl.u32 s4, $0x3;
	s4 =	simm.s32 $0x1A500  }
.LBB2_1:
0x14: {  	s0 =	simm.s32 $0x80;
	s22 =	simm.s32 $0x400  }
0x15: {  	[tilespmem:s14], [sflag:$0x1] =	stream.strided.gather [hbm4b:s6+s0], $0x2780, s22, s0, $0x38;
	[tilespmem:$0x1F780] =	vst v63  }
0x16: {  	s24 =	simm.s32 $0x0;
	s26 =	simm.s32 $0x16780  }
0x17: {  	[tilespmem:s26], [sflag:$0x2] =	stream.linear.gather [hbm4b:s8+s24], $0x3E80, $0x38;
	[tilespmem:$0x1F780] =	vst v63  }
0x18: {  	[spmem:s16], [sflag:s9] =	dma.local [hbm:s5], $0x2800  }
0x19: {  	_ =	swait.ge [sflag:s17], $0x2780  }
0x1a: {  	[sflag:s17] =	ssyncset.done $0x0  }
0x1b: {  	[sflag:s17] =	ssyncadd.s32 $0xFFFFD880  }
0x1c: {  	_ =	swait.ge [sflag:s18], $0x3E80  }
0x1d: {  	[sflag:s18] =	ssyncset.done $0x0  }
0x1e: {  	[sflag:s18] =	ssyncadd.s32 $0xFFFFC180  }
0x1f: {  	_ =	swait.ge [sflag:s19], $0x2800  }
0x20: {  	[sflag:s19] =	ssyncset.done $0x0  }
0x21: {  	[sflag:s19] =	ssyncadd.s32 $0xFFFFD800  }
0x22: {  	[bflag:$0x0] =	sbarrier.arrive $0xFFFF  }
0x23: {  	[tilespmem:s21], [sflag:$0x1] =	stream.indirect.gather [hbm4b:s2+s20], $0x80, s14, s20, $0xb8;
	[tilespmem:$0x1F780] =	vst v63  }
0x24: {  	s24 =	simm.s32 $0x14028  }
0x25: {  	[tilespmem:s23], [sflag:$0x5] =	stream.indirect.gather [hbm4b:s2+s20], $0x80, s24, s20, $0xb8;
	[tilespmem:$0x1F780] =	vst v63  }
0x26: {  	s26 =	simm.s32 $0x14050  }
0x27: {  	[tilespmem:s25], [sflag:$0x2] =	stream.indirect.gather [hbm4b:s2+s20], $0x80, s26, s20, $0xb8;
	[tilespmem:$0x1F780] =	vst v63  }
0x28: {  	s22 =	simm.s32 $0x14078  }
0x29: {  	[tilespmem:s28], [sflag:$0x6] =	stream.indirect.gather [hbm4b:s2+s20], $0x80, s22, s20, $0xb8;
	[tilespmem:$0x1F780] =	vst v63  }
0x2a: {  	_ =	swait.ge [sflag:s17], $0x1400  }
0x2b: {  	[sflag:s17] =	ssyncset.done $0x0  }
0x2c: {  	[sflag:s17] =	ssyncadd.s32 $0xFFFFEC00  }
0x2d: {  	_ =	swait.ge [sflag:s29], $0x1400  }
0x2e: {  	[sflag:s29] =	ssyncset.done $0x0  }
0x2f: {  	s24 =	simm.s32 $0x16780;
	[sflag:s29] =	ssyncadd.s32 $0xFFFFEC00  }
0x30: {  	[spmem:s3] =	stream.indirect.scatter.add.f32 [tilespmem:s21], [sflag:$0x3], $0x80, s24, s30, $0xb8;
	[tilespmem:$0x1F780] =	vst v63  }
0x31: {  	_ =	swait.ge [sflag:s19], $0x2800  }
0x32: {  	[sflag:s19] =	ssyncset.done $0x0  }
0x33: {  	s26 =	simm.s32 $0x140A0;
	[sflag:s19] =	ssyncadd.s32 $0xFFFFD800  }
0x34: {  	[tilespmem:s21], [sflag:$0x1] =	stream.indirect.gather [hbm4b:s2+s20], $0x80, s26, s20, $0xb8;
	[tilespmem:$0x1F780] =	vst v63  }
0x35: {  	s0 =	simm.s32 $0x140C8  }
0x36: {  	[tilespmem:s23], [sflag:$0x5] =	stream.indirect.gather [hbm4b:s2+s20], $0x80, s0, s20, $0xb8;
	[tilespmem:$0x1F780] =	vst v63  }
0x37: {  	_ =	swait.ge [sflag:s18], $0x1400  }
0x38: {  	[sflag:s18] =	ssyncset.done $0x0  }
0x39: {  	[sflag:s18] =	ssyncadd.s32 $0xFFFFEC00  }
0x3a: {  	_ =	swait.ge [sflag:s31], $0x1400  }
0x3b: {  	[sflag:s31] =	ssyncset.done $0x0  }
0x3c: {  	s24 =	simm.s32 $0x16800;
	[sflag:s31] =	ssyncadd.s32 $0xFFFFEC00  }
0x3d: {  	[spmem:s3] =	stream.indirect.scatter.add.f32 [tilespmem:s25], [sflag:$0x4], $0x80, s24, s30, $0xb8;
	[tilespmem:$0x1F780] =	vst v63  }
0x3e: {  	_ =	swait.ge [sflag:s1], $0x2800  }
0x3f: {  	[sflag:s1] =	ssyncset.done $0x0  }
0x40: {  	s26 =	simm.s32 $0x140F0;
	[sflag:s1] =	ssyncadd.s32 $0xFFFFD800  }
0x41: {  	[tilespmem:s25], [sflag:$0x2] =	stream.indirect.gather [hbm4b:s2+s20], $0x80, s26, s20, $0xb8;
	[tilespmem:$0x1F780] =	vst v63  }
0x42: {  	s22 =	simm.s32 $0x280;
	s24 =	simm.s32 $0x16900;
	s26 =	simm.s32 $0x14118  }
.LBB2_2:
0x43: {  	[tilespmem:s28], [sflag:$0x6] =	stream.indirect.gather [hbm4b:s2+s20], $0x80, s26, s20, $0xb8;
	[tilespmem:$0x1F780] =	vst v63  }
0x44: {  	s26 =	smov.u32 s22;
	s22 =	sadd.s32 $0x280, s22;
	_ =	swait.ge [sflag:s17], $0x1400  }
0x45: {  	p0 =	sne.s32 s22, $0x9880;
	[sflag:s17] =	ssyncset.done $0x0  }
0x46: {  	[sflag:s17] =	ssyncadd.s32 $0xFFFFEC00  }
0x47: {  	_ =	swait.ge [sflag:s29], $0x1400  }
0x48: {  	[sflag:s29] =	ssyncset.done $0x0  }
0x49: {  	s0 =	sadd.s32 $0xFFFFFF80, s24;
	[sflag:s29] =	ssyncadd.s32 $0xFFFFEC00  }
0x4a: {  	[spmem:s3] =	stream.indirect.scatter.add.f32 [tilespmem:s21], [sflag:$0x3], $0x80, s0, s30, $0xb8;
	[tilespmem:$0x1F780] =	vst v63  }
0x4b: {  	_ =	swait.ge [sflag:s19], $0x2800  }
0x4c: {  	s0 =	sshra.s32 s26, $0x2;
	[sflag:s19] =	ssyncset.done $0x0  }
0x4d: {  	s26 =	sadd.s32 $0x140A0, s0;
	[sflag:s19] =	ssyncadd.s32 $0xFFFFD800  }
0x4e: {  	[tilespmem:s21], [sflag:$0x1] =	stream.indirect.gather [hbm4b:s2+s20], $0x80, s26, s20, $0xb8;
	[tilespmem:$0x1F780] =	vst v63  }
0x4f: {  	s26 =	sadd.s32 $0x140C8, s0  }
0x50: {  	[tilespmem:s23], [sflag:$0x5] =	stream.indirect.gather [hbm4b:s2+s20], $0x80, s26, s20, $0xb8;
	[tilespmem:$0x1F780] =	vst v63  }
0x51: {  	_ =	swait.ge [sflag:s18], $0x1400  }
0x52: {  	[sflag:s18] =	ssyncset.done $0x0  }
0x53: {  	[sflag:s18] =	ssyncadd.s32 $0xFFFFEC00  }
0x54: {  	_ =	swait.ge [sflag:s31], $0x1400  }
0x55: {  	[sflag:s31] =	ssyncset.done $0x0  }
0x56: {  	[sflag:s31] =	ssyncadd.s32 $0xFFFFEC00  }
0x57: {  	[spmem:s3] =	stream.indirect.scatter.add.f32 [tilespmem:s25], [sflag:$0x4], $0x80, s24, s30, $0xb8;
	[tilespmem:$0x1F780] =	vst v63  }
.Ltmp0:
0x58: {  	_ =	swait.ge [sflag:s1], $0x2800;
	(pc) =	sbr.rel @p0 .LBB2_2-.Ltmp0, $4  }
0x59: {  	[sflag:s1] =	ssyncset.done $0x0  }
0x5a: {  	s26 =	sadd.s32 $0x140F0, s0;
	[sflag:s1] =	ssyncadd.s32 $0xFFFFD800  }
0x5b: {  	[tilespmem:s25], [sflag:$0x2] =	stream.indirect.gather [hbm4b:s2+s20], $0x80, s26, s20, $0xb8;
	[tilespmem:$0x1F780] =	vst v63  }
0x5c: {  	s24 =	sadd.s32 $0x100, s24;
	s26 =	sadd.s32 $0x14118, s0  }
0x5d: {  	[tilespmem:s28], [sflag:$0x6] =	stream.indirect.gather [hbm4b:s2+s20], $0x80, s26, s20, $0xb8;
	[tilespmem:$0x1F780] =	vst v63  }
0x5e: {  	_ =	swait.ge [sflag:s17], $0x1400  }
0x5f: {  	[sflag:s17] =	ssyncset.done $0x0  }
0x60: {  	[sflag:s17] =	ssyncadd.s32 $0xFFFFEC00  }
0x61: {  	_ =	swait.ge [sflag:s29], $0x1400  }
0x62: {  	[sflag:s29] =	ssyncset.done $0x0  }
0x63: {  	s0 =	simm.s32 $0x1A480;
	[sflag:s29] =	ssyncadd.s32 $0xFFFFEC00  }
0x64: {  	[spmem:s3] =	stream.indirect.scatter.add.f32 [tilespmem:s21], [sflag:$0x3], $0x80, s0, s30, $0xb8;
	[tilespmem:$0x1F780] =	vst v63  }
0x65: {  	_ =	swait.ge [sflag:s19], $0x2800  }
0x66: {  	s24 =	sshra.s32 s22, $0x2;
	[sflag:s19] =	ssyncset.done $0x0  }
0x67: {  	s22 =	sadd.s32 $0x140A0, s24;
	[sflag:s19] =	ssyncadd.s32 $0xFFFFD800  }
0x68: {  	[tilespmem:s21], [sflag:$0x1] =	stream.indirect.gather [hbm4b:s2+s20], $0x80, s22, s20, $0xb8;
	[tilespmem:$0x1F780] =	vst v63  }
0x69: {  	s0 =	sadd.s32 $0x140C8, s24  }
0x6a: {  	[tilespmem:s23], [sflag:$0x5] =	stream.indirect.gather [hbm4b:s2+s20], $0x80, s0, s20, $0xb8;
	[tilespmem:$0x1F780] =	vst v63  }
0x6b: {  	_ =	swait.ge [sflag:s18], $0x1400  }
0x6c: {  	[sflag:s18] =	ssyncset.done $0x0  }
0x6d: {  	[sflag:s18] =	ssyncadd.s32 $0xFFFFEC00  }
0x6e: {  	_ =	swait.ge [sflag:s31], $0x1400  }
0x6f: {  	[sflag:s31] =	ssyncset.done $0x0  }
0x70: {  	[sflag:s31] =	ssyncadd.s32 $0xFFFFEC00  }
0x71: {  	[spmem:s3] =	stream.indirect.scatter.add.f32 [tilespmem:s25], [sflag:$0x4], $0x80, s4, s30, $0xb8;
	[tilespmem:$0x1F780] =	vst v63  }
0x72: {  	_ =	swait.ge [sflag:s17], $0x1400  }
0x73: {  	[sflag:s17] =	ssyncset.done $0x0  }
0x74: {  	[sflag:s17] =	ssyncadd.s32 $0xFFFFEC00  }
0x75: {  	_ =	swait.ge [sflag:s29], $0x1400  }
0x76: {  	[sflag:s29] =	ssyncset.done $0x0  }
0x77: {  	[sflag:s29] =	ssyncadd.s32 $0xFFFFEC00  }
0x78: {  	[spmem:s3] =	stream.indirect.scatter.add.f32 [tilespmem:s21], [sflag:$0x3], $0x80, s12, s30, $0xb8;
	[tilespmem:$0x1F780] =	vst v63  }
0x79: {  	_ =	swait.ge [sflag:s1], $0x2800  }
0x7a: {  	[sflag:s1] =	ssyncset.done $0x0  }
0x7b: {  	[sflag:s1] =	ssyncadd.s32 $0xFFFFD800  }
0x7c: {  	_ =	swait.ge [sflag:s19], $0x2800  }
0x7d: {  	s15 =	sadd.s32 $0x1, s15;
	[sflag:s19] =	ssyncset.done $0x0  }
0x7e: {  	p0 =	sne.s32 s15, s11;
	[sflag:s19] =	ssyncadd.s32 $0xFFFFD800  }
.Ltmp1:
0x7f: {  	s26 =	sor.u32 $0x1C07, s7;
	[bflag:$0x0] =	sbarrier.arrive $0xFFFF;
	(pc) =	sbr.rel @p0 .LBB2_1-.Ltmp1, $4  }
0x80: {  	[hbm:s10], [sflag:s26] =	dma.local [spmem:s16], $0x2800  }
0x81: {  	_ =	swait.ge [sflag:s13], $0x2800  }
0x82: {  	[sflag:s13] =	ssyncset.done $0x0  }
0x83: {  	[sflag:s13] =	ssyncadd.s32 $0xFFFFD800  }
0x84: {  	_ =	sfence.sel $0x180000  }
0x85: {  	[bflag:$0x0] =	sbarrier.arrive $0xFFFF  }
0x86: {  	_ =	strace $0x90000047  }
0x87: {  	s0 =	stileid.u32;
	[bflag:$0x2] =	sbarrier.arrive $0xFFFF  }
0x88: {  	p0 =	sne.s32 s0, $0x0;
	s0 =	rddreg [dreg:$0x3]  }
0x89: {  	s0 =	sadd.s32 @!p0 $0x100000, s0  }
0x8a: {  	[sflag:s0] =	ssyncadd.tile.s32 @!p0 $0x1;
	_ =	shalt  }
.Lfunc_end2:
_tile_overlayer_lowered:
.L_overlay_start_2:
0x8b: {  	(tag) =	ssettag $0x2  }
0x8c: {  	s0 =	rddreg [dreg:$0x0];
	s2 =	stileid.u32  }
0x8d: {  	s1 =	rddreg [dreg:$0x1];
	p0 =	sne.s32 s2, $0x0  }
0x8e: {  	s3 =	rddreg [dreg:$0x2];
	[bflag:$0x3] =	sbarrier.arrive $0xFFFF;
	s2 =	simm.s32 @!p0 $0x1C07  }
0x8f: {  	[timem:s3], [sflag:s2] =	dma.local @!p0 [hbm:s0], s1  }
0x90: {  	s0 =	simm.s32 @!p0 $0x7  }
0x91: {  	_ =	swait.ge @!p0 [sflag:s0], s1  }
0x92: {  	s1 =	ssub.s32 @!p0 $0x0, s1;
	[sflag:s0] =	ssyncset.done @!p0 $0x0  }
0x93: {  	[sflag:s0] =	ssyncadd.s32 @!p0 s1  }
0x94: {  	[bflag:$0x3] =	sbarrier.arrive $0xFFFF  }
0x95: {  	_ =	shalt  }

</sc_bundles>
